<compile_context>
chip_gen: v7x
topology: tpu7x:2x2x1
jax: 0.10.2.dev20260603
libtpu: 0.0.44.dev20260713+nightly
codegen_flags: <defaults>
</compile_context>

<pallas_src>
import jax
import jax.numpy as jnp
from jax import lax
from jax.experimental import pallas as pl
from jax.experimental.pallas import tpu as pltpu
from jax.experimental.pallas import tpu_sc as plsc

N = 16 * 512 * 512
BKT = 1 << 18
SHIFT = 13
HIST = 2 * BKT
NC, NS = 2, 16
NW = NC * NS
ELEMS = N // NW
CHUNK = 8192
NCHUNK = ELEMS // CHUNK
WORDS = HIST // NS
BB = 8192


def _hist_body(scores_hbm, labels_hbm, cnt_out, rsum_out,
               s_v, l_v, idx_v, relu_v, ones_v, buf_v, cnt_sh, rsum_sh):
    cid = lax.axis_index("c")
    sid = lax.axis_index("s")
    wid = sid * NC + cid

    def fill(i, _):
        o = i * 16
        buf_v[pl.ds(o, 16)] = jnp.zeros((16,), jnp.float32)
        ones_v[pl.ds(o, 16)] = jnp.ones((16,), jnp.float32)
        return 0
    lax.fori_loop(0, CHUNK // 16, fill, 0)

    def zero_slices(t, _):
        off = sid * WORDS + t * BB
        pltpu.sync_copy(buf_v, cnt_sh.at[pl.ds(off, BB)])
        pltpu.sync_copy(buf_v, rsum_sh.at[pl.ds(off, BB)])
        return 0
    lax.fori_loop(0, WORDS // BB, zero_slices, 0)
    plsc.subcore_barrier()

    def chunk(k, _):
        start = wid * ELEMS + k * CHUNK
        pltpu.sync_copy(scores_hbm.at[pl.ds(start, CHUNK)], s_v)
        pltpu.sync_copy(labels_hbm.at[pl.ds(start, CHUNK)], l_v)

        def elem(i, _):
            o = i * 16
            s = s_v[pl.ds(o, 16)]
            l = l_v[pl.ds(o, 16)]
            lf = l.astype(jnp.float32)
            e = 1.0 - s * (2.0 * lf - 1.0)
            relu_v[pl.ds(o, 16)] = jnp.maximum(e, 0.0)
            bits = lax.bitcast_convert_type(e, jnp.int32)
            bid = jnp.where(e > 0.0, lax.shift_right_logical(bits, SHIFT), 0)
            idx_v[pl.ds(o, 16)] = bid + l * BKT
            return 0
        lax.fori_loop(0, CHUNK // 16, elem, 0)

        pltpu.sync_copy(ones_v, cnt_sh.at[idx_v], add=True)
        pltpu.sync_copy(relu_v, rsum_sh.at[idx_v], add=True)
        return 0
    lax.fori_loop(0, NCHUNK, chunk, 0)
    plsc.subcore_barrier()

    def wout(t, _):
        off = sid * WORDS + t * BB
        pltpu.sync_copy(cnt_sh.at[pl.ds(off, BB)], buf_v)
        pltpu.sync_copy(buf_v, cnt_out.at[cid, pl.ds(off, BB)])
        pltpu.sync_copy(rsum_sh.at[pl.ds(off, BB)], buf_v)
        pltpu.sync_copy(buf_v, rsum_out.at[cid, pl.ds(off, BB)])
        return 0
    lax.fori_loop(0, WORDS // BB, wout, 0)


def _finalize_body(cnt_ref, rsum_ref, out_ref):
    cn = cnt_ref[0] + cnt_ref[2]
    cp = cnt_ref[1] + cnt_ref[3]
    rs = rsum_ref[0] + rsum_ref[1] + rsum_ref[2] + rsum_ref[3]
    cnt = cn + cp
    P = jnp.sum(cp)

    iu = lax.broadcasted_iota(jnp.int32, (512, 512), 0)
    il = lax.broadcasted_iota(jnp.int32, (512, 512), 1)
    U = (iu > il).astype(jnp.float32)

    sk = lax.dot(cnt, U)
    sp = lax.dot(cp, U)
    rowk = jnp.sum(cnt, axis=1, keepdims=True)
    rowp = jnp.sum(cp, axis=1, keepdims=True)
    W = (il > iu).astype(jnp.float32)
    k1 = sk + lax.dot(W, rowk)
    p1 = sp + lax.dot(W, rowp)

    n1 = k1 - p1
    n2 = n1 + cn
    num = (P - p1) * cn + cp * (P + n1)
    den = (P + n1) * (P + n2)
    dJ = jnp.where(den > 0.0, num / jnp.where(den > 0.0, den, 1.0), 0.0)
    dJ0 = ((k1 == 0.0) & (cnt > 0.0)).astype(jnp.float32)
    dJ = jnp.where(P > 0.0, dJ, dJ0)
    rbar = jnp.where(cnt > 0.0, rs / jnp.where(cnt > 0.0, cnt, 1.0), 0.0)
    out_ref[...] = jnp.broadcast_to(jnp.sum(rbar * dJ), (1, 1))


def kernel(logits, labels):
    scores = logits.reshape(-1).astype(jnp.float32)
    lab = labels.reshape(-1).astype(jnp.int32)

    mesh = plsc.VectorSubcoreMesh(core_axis_name="c", subcore_axis_name="s")
    hist = pl.kernel(
        _hist_body,
        mesh=mesh,
        out_type=[
            jax.ShapeDtypeStruct((NC, HIST), jnp.float32),
            jax.ShapeDtypeStruct((NC, HIST), jnp.float32),
        ],
        scratch_types=[
            pltpu.VMEM((CHUNK,), jnp.float32),
            pltpu.VMEM((CHUNK,), jnp.int32),
            pltpu.VMEM((CHUNK,), jnp.int32),
            pltpu.VMEM((CHUNK,), jnp.float32),
            pltpu.VMEM((CHUNK,), jnp.float32),
            pltpu.VMEM((BB,), jnp.float32),
            pltpu.VMEM_SHARED((HIST,), jnp.float32),
            pltpu.VMEM_SHARED((HIST,), jnp.float32),
        ],
    )
    cnt2, rsum2 = hist(scores, lab)

    cnt4 = cnt2.reshape(4, 512, 512)
    rsum4 = rsum2.reshape(4, 512, 512)
    loss = pl.pallas_call(
        _finalize_body,
        out_shape=jax.ShapeDtypeStruct((1, 1), jnp.float32),
    )(cnt4, rsum4)
    return loss.reshape(())

# --- scband reference (transcript-rebuilt; emitter-appended) ---
"""Pipeline reference for scband-lovasz-loss-11862699671930 (READ-ONLY COPY).

The authoritative reference and input builder live on the scoring server;
editing this copy changes nothing except your own understanding.
"""

import jax, jax.numpy as jnp
import numpy as np


def setup_inputs(seed: int = 0) -> dict:
    key = jax.random.key(seed)
    k1, k2 = jax.random.split(key)
    logits = jax.random.normal(k1, (16, 512, 512), dtype=jnp.float32)
    labels = jax.random.randint(k2, (16, 512, 512), 0, 2, dtype=jnp.int64)
    return {"logits": logits, "labels": labels}


def reference(logits, labels):
    # flatten_binary_scores (ignore=None)
    scores = logits.reshape(-1)
    lab = labels.reshape(-1)
    # lovasz_hinge_flat
    signs = 2.0 * lab.astype(jnp.float32) - 1.0
    errors = 1.0 - scores * signs
    perm = jnp.argsort(-errors)  # descending sort order
    errors_sorted = errors[perm]
    gt_sorted = lab[perm]
    # lovasz_grad
    gtf = gt_sorted.astype(jnp.float32)
    gts = gtf.sum()
    intersection = gts - jnp.cumsum(gtf)
    union = gts + jnp.cumsum(1.0 - gtf)
    jaccard = 1.0 - intersection / union
    grad = jnp.concatenate([jaccard[:1], jaccard[1:] - jaccard[:-1]])
    loss = jnp.dot(jax.nn.relu(errors_sorted), grad)
    return loss

if __name__ == "__main__":
    import jax
    _d = setup_inputs()
    print(jax.jit(kernel)(*tuple(_d.values())))

</pallas_src>

<mosaic_0001>
#map = affine_map<(d0, d1) -> (0)>
#map1 = affine_map<(d0, d1) -> (0, 0)>
module attributes {stable_mosaic.version = 14 : i64} {
  func.func @_hist_body(%arg0: i32, %arg1: i32, %arg2: memref<4194304xf32, #tpu.memory_space<hbm>>, %arg3: memref<4194304xi32, #tpu.memory_space<hbm>>, %arg4: memref<2x524288xf32, #tpu.memory_space<hbm>>, %arg5: memref<2x524288xf32, #tpu.memory_space<hbm>>, %arg6: memref<8192xf32, #tpu.memory_space<vmem>>, %arg7: memref<8192xi32, #tpu.memory_space<vmem>>, %arg8: memref<8192xi32, #tpu.memory_space<vmem>>, %arg9: memref<8192xf32, #tpu.memory_space<vmem>>, %arg10: memref<8192xf32, #tpu.memory_space<vmem>>, %arg11: memref<8192xf32, #tpu.memory_space<vmem>>, %arg12: memref<524288xf32, #tpu.memory_space<vmem_shared>>, %arg13: memref<524288xf32, #tpu.memory_space<vmem_shared>>) attributes {dimension_semantics = [#tpu.dimension_semantics<core_parallel>, #tpu.dimension_semantics<subcore_parallel>], iteration_bounds = array<i64: 2, 16>, scalar_prefetch = 0 : i64, scratch_operands = 8 : i64, tpu.core_type = #tpu.core_type<sc_vector_subcore>, window_params = [{transform_indices = #map}, {transform_indices = #map}, {transform_indices = #map1}, {transform_indices = #map1}]} {
    %mul3A = arith.constant 2 : i32
    %mul3A_0 = arith.muli %arg1, %mul3A : i32
    %add3A = arith.addi %mul3A_0, %arg0 : i32
    %scan3A = arith.constant 0 : i32
    %scan3A_1 = arith.constant 0 : i32
    %scan3A_2 = arith.constant 512 : i32
    %scan3A_3 = arith.addi %scan3A_1, %scan3A_2 : i32
    %scan3A_4 = arith.constant 1 : i32
    %scan3A_5 = scf.for %scan3A_29 = %scan3A_1 to %scan3A_3 step %scan3A_4 iter_args(%scan3A_30 = %scan3A) -> (i32)  : i32 {
      %mul3A_31 = arith.constant 16 : i32
      %mul3A_32 = arith.muli %scan3A_29, %mul3A_31 : i32
      %broadcast_in_dim3A = arith.constant 0.000000e+00 : f32
      %broadcast_in_dim3A_33 = vector.broadcast %broadcast_in_dim3A : f32 to vector<16xf32>
      %swap3A = arith.index_cast %mul3A_32 : i32 to index
      %swap3A_34 = tpu.vector_load %arg11[%swap3A] {strides = array<i32>} : memref<8192xf32, #tpu.memory_space<vmem>>, vector<16xf32>,
      %swap3A_35 = vector.shape_cast %swap3A_34 : vector<16xf32> to vector<16xf32>
      %swap3A_36 = vector.shape_cast %broadcast_in_dim3A_33 : vector<16xf32> to vector<16xf32>
      tpu.vector_store %arg11[%swap3A], %swap3A_36 {strides = array<i32>} : memref<8192xf32, #tpu.memory_space<vmem>>, vector<16xf32>,
      %broadcast_in_dim3A_37 = arith.constant 1.000000e+00 : f32
      %broadcast_in_dim3A_38 = vector.broadcast %broadcast_in_dim3A_37 : f32 to vector<16xf32>
      %swap3A_39 = arith.index_cast %mul3A_32 : i32 to index
      %swap3A_40 = tpu.vector_load %arg10[%swap3A_39] {strides = array<i32>} : memref<8192xf32, #tpu.memory_space<vmem>>, vector<16xf32>,
      %swap3A_41 = vector.shape_cast %swap3A_40 : vector<16xf32> to vector<16xf32>
      %swap3A_42 = vector.shape_cast %broadcast_in_dim3A_38 : vector<16xf32> to vector<16xf32>
      tpu.vector_store %arg10[%swap3A_39], %swap3A_42 {strides = array<i32>} : memref<8192xf32, #tpu.memory_space<vmem>>, vector<16xf32>,
      %scan3A_43 = arith.constant 0 : i32
      scf.yield %scan3A_43 : i32
    }
    %scan3A_6 = arith.constant 512 : i32
    %scan3A_7 = arith.constant 0 : i32
    %scan3A_8 = arith.constant 0 : i32
    %scan3A_9 = arith.constant 4 : i32
    %scan3A_10 = arith.addi %scan3A_8, %scan3A_9 : i32
    %scan3A_11 = arith.constant 1 : i32
    %scan3A_12 = scf.for %scan3A_29 = %scan3A_8 to %scan3A_10 step %scan3A_11 iter_args(%scan3A_30 = %scan3A_7) -> (i32)  : i32 {
      %mul3A_31 = arith.constant 32768 : i32
      %mul3A_32 = arith.muli %arg1, %mul3A_31 : i32
      %mul3A_33 = arith.constant 8192 : i32
      %mul3A_34 = arith.muli %scan3A_29, %mul3A_33 : i32
      %add3A_35 = arith.addi %mul3A_32, %mul3A_34 : i32
      "tpu.region"() ({
        %run_scoped3A = tpu.sem_alloc : memref<!tpu.dma_semaphore, #tpu.memory_space<semaphore_mem>>
        %dma_start3A = tpu.memref_slice %arg12[%add3A_35] : memref<524288xf32, #tpu.memory_space<vmem_shared>> -> memref<8192xf32, #tpu.memory_space<vmem_shared>>
        %dma_start3A_37 = tpu.memref_slice %arg12[%add3A_35] : memref<524288xf32, #tpu.memory_space<vmem_shared>> -> memref<8192xf32, #tpu.memory_space<vmem_shared>>
        tpu.enqueue_dma source(%arg11 : memref<8192xf32, #tpu.memory_space<vmem>>) target(%dma_start3A_37 : memref<8192xf32, #tpu.memory_space<vmem_shared>>) target_semaphore(%run_scoped3A : memref<!tpu.dma_semaphore, #tpu.memory_space<semaphore_mem>>)
        %dma_wait3A = tpu.memref_slice %arg12[%add3A_35] : memref<524288xf32, #tpu.memory_space<vmem_shared>> -> memref<8192xf32, #tpu.memory_space<vmem_shared>>
        %dma_wait3A_38 = tpu.memref_slice %arg12[%add3A_35] : memref<524288xf32, #tpu.memory_space<vmem_shared>> -> memref<8192xf32, #tpu.memory_space<vmem_shared>>
        tpu.wait_dma2 semaphore(%run_scoped3A : memref<!tpu.dma_semaphore, #tpu.memory_space<semaphore_mem>>) src(%arg11 : memref<8192xf32, #tpu.memory_space<vmem>>) dst(%dma_wait3A_38 : memref<8192xf32, #tpu.memory_space<vmem_shared>>)
        tpu.yield
      }) : () -> ()
      "tpu.region"() ({
        %run_scoped3A = tpu.sem_alloc : memref<!tpu.dma_semaphore, #tpu.memory_space<semaphore_mem>>
        %dma_start3A = tpu.memref_slice %arg13[%add3A_35] : memref<524288xf32, #tpu.memory_space<vmem_shared>> -> memref<8192xf32, #tpu.memory_space<vmem_shared>>
        %dma_start3A_37 = tpu.memref_slice %arg13[%add3A_35] : memref<524288xf32, #tpu.memory_space<vmem_shared>> -> memref<8192xf32, #tpu.memory_space<vmem_shared>>
        tpu.enqueue_dma source(%arg11 : memref<8192xf32, #tpu.memory_space<vmem>>) target(%dma_start3A_37 : memref<8192xf32, #tpu.memory_space<vmem_shared>>) target_semaphore(%run_scoped3A : memref<!tpu.dma_semaphore, #tpu.memory_space<semaphore_mem>>)
        %dma_wait3A = tpu.memref_slice %arg13[%add3A_35] : memref<524288xf32, #tpu.memory_space<vmem_shared>> -> memref<8192xf32, #tpu.memory_space<vmem_shared>>
        %dma_wait3A_38 = tpu.memref_slice %arg13[%add3A_35] : memref<524288xf32, #tpu.memory_space<vmem_shared>> -> memref<8192xf32, #tpu.memory_space<vmem_shared>>
        tpu.wait_dma2 semaphore(%run_scoped3A : memref<!tpu.dma_semaphore, #tpu.memory_space<semaphore_mem>>) src(%arg11 : memref<8192xf32, #tpu.memory_space<vmem>>) dst(%dma_wait3A_38 : memref<8192xf32, #tpu.memory_space<vmem_shared>>)
        tpu.yield
      }) : () -> ()
      %scan3A_36 = arith.constant 0 : i32
      scf.yield %scan3A_36 : i32
    }
    %scan3A_13 = arith.constant 4 : i32
    %barrier3A = arith.constant 0 : index
    tpu.barrier barrier_id(%barrier3A)
    %scan3A_14 = arith.constant 0 : i32
    %scan3A_15 = arith.constant 0 : i32
    %scan3A_16 = arith.constant 16 : i32
    %scan3A_17 = arith.addi %scan3A_15, %scan3A_16 : i32
    %scan3A_18 = arith.constant 1 : i32
    %scan3A_19 = scf.for %scan3A_29 = %scan3A_15 to %scan3A_17 step %scan3A_18 iter_args(%scan3A_30 = %scan3A_14) -> (i32)  : i32 {
      %mul3A_31 = arith.constant 131072 : i32
      %mul3A_32 = arith.muli %add3A, %mul3A_31 : i32
      %mul3A_33 = arith.constant 8192 : i32
      %mul3A_34 = arith.muli %scan3A_29, %mul3A_33 : i32
      %add3A_35 = arith.addi %mul3A_32, %mul3A_34 : i32
      "tpu.region"() ({
        %run_scoped3A = tpu.sem_alloc : memref<!tpu.dma_semaphore, #tpu.memory_space<semaphore_mem>>
        %dma_start3A = tpu.memref_slice %arg2[%add3A_35] : memref<4194304xf32, #tpu.memory_space<hbm>> -> memref<8192xf32, #tpu.memory_space<hbm>>
        %dma_start3A_44 = tpu.memref_slice %arg2[%add3A_35] : memref<4194304xf32, #tpu.memory_space<hbm>> -> memref<8192xf32, #tpu.memory_space<hbm>>
        tpu.enqueue_dma source(%dma_start3A_44 : memref<8192xf32, #tpu.memory_space<hbm>>) target(%arg6 : memref<8192xf32, #tpu.memory_space<vmem>>) target_semaphore(%run_scoped3A : memref<!tpu.dma_semaphore, #tpu.memory_space<semaphore_mem>>)
        %dma_wait3A = tpu.memref_slice %arg2[%add3A_35] : memref<4194304xf32, #tpu.memory_space<hbm>> -> memref<8192xf32, #tpu.memory_space<hbm>>
        %dma_wait3A_45 = tpu.memref_slice %arg2[%add3A_35] : memref<4194304xf32, #tpu.memory_space<hbm>> -> memref<8192xf32, #tpu.memory_space<hbm>>
        tpu.wait_dma2 semaphore(%run_scoped3A : memref<!tpu.dma_semaphore, #tpu.memory_space<semaphore_mem>>) src(%dma_wait3A_45 : memref<8192xf32, #tpu.memory_space<hbm>>) dst(%arg6 : memref<8192xf32, #tpu.memory_space<vmem>>)
        tpu.yield
      }) : () -> ()
      "tpu.region"() ({
        %run_scoped3A = tpu.sem_alloc : memref<!tpu.dma_semaphore, #tpu.memory_space<semaphore_mem>>
        %dma_start3A = tpu.memref_slice %arg3[%add3A_35] : memref<4194304xi32, #tpu.memory_space<hbm>> -> memref<8192xi32, #tpu.memory_space<hbm>>
        %dma_start3A_44 = tpu.memref_slice %arg3[%add3A_35] : memref<4194304xi32, #tpu.memory_space<hbm>> -> memref<8192xi32, #tpu.memory_space<hbm>>
        tpu.enqueue_dma source(%dma_start3A_44 : memref<8192xi32, #tpu.memory_space<hbm>>) target(%arg7 : memref<8192xi32, #tpu.memory_space<vmem>>) target_semaphore(%run_scoped3A : memref<!tpu.dma_semaphore, #tpu.memory_space<semaphore_mem>>)
        %dma_wait3A = tpu.memref_slice %arg3[%add3A_35] : memref<4194304xi32, #tpu.memory_space<hbm>> -> memref<8192xi32, #tpu.memory_space<hbm>>
        %dma_wait3A_45 = tpu.memref_slice %arg3[%add3A_35] : memref<4194304xi32, #tpu.memory_space<hbm>> -> memref<8192xi32, #tpu.memory_space<hbm>>
        tpu.wait_dma2 semaphore(%run_scoped3A : memref<!tpu.dma_semaphore, #tpu.memory_space<semaphore_mem>>) src(%dma_wait3A_45 : memref<8192xi32, #tpu.memory_space<hbm>>) dst(%arg7 : memref<8192xi32, #tpu.memory_space<vmem>>)
        tpu.yield
      }) : () -> ()
      %scan3A_36 = arith.constant 0 : i32
      %scan3A_37 = arith.constant 0 : i32
      %scan3A_38 = arith.constant 512 : i32
      %scan3A_39 = arith.addi %scan3A_37, %scan3A_38 : i32
      %scan3A_40 = arith.constant 1 : i32
      %scan3A_41 = scf.for %scan3A_44 = %scan3A_37 to %scan3A_39 step %scan3A_40 iter_args(%scan3A_45 = %scan3A_36) -> (i32)  : i32 {
        %mul3A_46 = arith.constant 16 : i32
        %mul3A_47 = arith.muli %scan3A_44, %mul3A_46 : i32
        %get3A = arith.index_cast %mul3A_47 : i32 to index
        %get3A_48 = tpu.vector_load %arg6[%get3A] {strides = array<i32>} : memref<8192xf32, #tpu.memory_space<vmem>>, vector<16xf32>,
        %get3A_49 = vector.shape_cast %get3A_48 : vector<16xf32> to vector<16xf32>
        %get3A_50 = arith.index_cast %mul3A_47 : i32 to index
        %get3A_51 = tpu.vector_load %arg7[%get3A_50] {strides = array<i32>} : memref<8192xi32, #tpu.memory_space<vmem>>, vector<16xi32>,
        %get3A_52 = vector.shape_cast %get3A_51 : vector<16xi32> to vector<16xi32>
        %convert_element_type3A = arith.sitofp %get3A_52 : vector<16xi32> to vector<16xf32>
        %mul3A_53 = arith.constant 2.000000e+00 : f32
        %mul3A_54 = vector.broadcast %mul3A_53 : f32 to vector<16xf32>
        %mul3A_55 = arith.mulf %mul3A_54, %convert_element_type3A : vector<16xf32>
        %sub3A = arith.constant 1.000000e+00 : f32
        %sub3A_56 = vector.broadcast %sub3A : f32 to vector<16xf32>
        %sub3A_57 = arith.subf %mul3A_55, %sub3A_56 : vector<16xf32>
        %mul3A_58 = arith.mulf %get3A_49, %sub3A_57 : vector<16xf32>
        %sub3A_59 = arith.constant 1.000000e+00 : f32
        %sub3A_60 = vector.broadcast %sub3A_59 : f32 to vector<16xf32>
        %sub3A_61 = arith.subf %sub3A_60, %mul3A_58 : vector<16xf32>
        %max3A = arith.constant 0.000000e+00 : f32
        %max3A_62 = vector.broadcast %max3A : f32 to vector<16xf32>
        %max3A_63 = arith.maximumf %sub3A_61, %max3A_62 : vector<16xf32>
        %swap3A = arith.index_cast %mul3A_47 : i32 to index
        %swap3A_64 = tpu.vector_load %arg9[%swap3A] {strides = array<i32>} : memref<8192xf32, #tpu.memory_space<vmem>>, vector<16xf32>,
        %swap3A_65 = vector.shape_cast %swap3A_64 : vector<16xf32> to vector<16xf32>
        %swap3A_66 = vector.shape_cast %max3A_63 : vector<16xf32> to vector<16xf32>
        tpu.vector_store %arg9[%swap3A], %swap3A_66 {strides = array<i32>} : memref<8192xf32, #tpu.memory_space<vmem>>, vector<16xf32>,
        %bitcast_convert_type3A = tpu.bitcast %sub3A_61 : vector<16xf32> -> vector<16xi32>
        %gt3A = arith.constant 0.000000e+00 : f32
        %gt3A_67 = vector.broadcast %gt3A : f32 to vector<16xf32>
        %gt3A_68 = arith.cmpf ogt, %sub3A_61, %gt3A_67 : vector<16xf32>
        %shift_right_logical3A = arith.constant 13 : i32
        %shift_right_logical3A_69 = vector.broadcast %shift_right_logical3A : i32 to vector<16xi32>
        %shift_right_logical3A_70 = arith.shrui %bitcast_convert_type3A, %shift_right_logical3A_69 : vector<16xi32>
        %jit3A = arith.constant 0 : i32
        %broadcast_in_dim3A = vector.broadcast %jit3A : i32 to vector<16xi32>
        %select_n3A = arith.select %gt3A_68, %shift_right_logical3A_70, %broadcast_in_dim3A : vector<16xi1>, vector<16xi32>
        %mul3A_71 = arith.constant 262144 : i32
        %mul3A_72 = vector.broadcast %mul3A_71 : i32 to vector<16xi32>
        %mul3A_73 = arith.muli %get3A_52, %mul3A_72 : vector<16xi32>
        %add3A_74 = arith.addi %select_n3A, %mul3A_73 : vector<16xi32>
        %swap3A_75 = arith.index_cast %mul3A_47 : i32 to index
        %swap3A_76 = tpu.vector_load %arg8[%swap3A_75] {strides = array<i32>} : memref<8192xi32, #tpu.memory_space<vmem>>, vector<16xi32>,
        %swap3A_77 = vector.shape_cast %swap3A_76 : vector<16xi32> to vector<16xi32>
        %swap3A_78 = vector.shape_cast %add3A_74 : vector<16xi32> to vector<16xi32>
        tpu.vector_store %arg8[%swap3A_75], %swap3A_78 {strides = array<i32>} : memref<8192xi32, #tpu.memory_space<vmem>>, vector<16xi32>,
        %scan3A_79 = arith.constant 0 : i32
        scf.yield %scan3A_79 : i32
      }
      %scan3A_42 = arith.constant 512 : i32
      "tpu.region"() ({
        %run_scoped3A = tpu.sem_alloc : memref<!tpu.dma_semaphore, #tpu.memory_space<semaphore_mem>>
        %dma_start3A = arith.constant 0 : i32
        %dma_start3A_44 = tpu.memref_slice %arg12[%dma_start3A] : memref<524288xf32, #tpu.memory_space<vmem_shared>> -> memref<524288xf32, #tpu.memory_space<vmem_shared>>
        tpu.enqueue_indirect_dma source(%arg10 : memref<8192xf32, #tpu.memory_space<vmem>>) target(%dma_start3A_44 : memref<524288xf32, #tpu.memory_space<vmem_shared>>) offsets(%arg8 : memref<8192xi32, #tpu.memory_space<vmem>>) semaphore(%run_scoped3A : memref<!tpu.dma_semaphore, #tpu.memory_space<semaphore_mem>>) {add = true}
        %dma_wait3A = arith.constant 0 : i32
        %dma_wait3A_45 = tpu.memref_slice %arg12[%dma_wait3A] : memref<524288xf32, #tpu.memory_space<vmem_shared>> -> memref<524288xf32, #tpu.memory_space<vmem_shared>>
        tpu.wait_indirect_dma semaphore(%run_scoped3A : memref<!tpu.dma_semaphore, #tpu.memory_space<semaphore_mem>>) src(%arg10 : memref<8192xf32, #tpu.memory_space<vmem>>) dst(%dma_wait3A_45 : memref<524288xf32, #tpu.memory_space<vmem_shared>>)
        tpu.yield
      }) : () -> ()
      "tpu.region"() ({
        %run_scoped3A = tpu.sem_alloc : memref<!tpu.dma_semaphore, #tpu.memory_space<semaphore_mem>>
        %dma_start3A = arith.constant 0 : i32
        %dma_start3A_44 = tpu.memref_slice %arg13[%dma_start3A] : memref<524288xf32, #tpu.memory_space<vmem_shared>> -> memref<524288xf32, #tpu.memory_space<vmem_shared>>
        tpu.enqueue_indirect_dma source(%arg9 : memref<8192xf32, #tpu.memory_space<vmem>>) target(%dma_start3A_44 : memref<524288xf32, #tpu.memory_space<vmem_shared>>) offsets(%arg8 : memref<8192xi32, #tpu.memory_space<vmem>>) semaphore(%run_scoped3A : memref<!tpu.dma_semaphore, #tpu.memory_space<semaphore_mem>>) {add = true}
        %dma_wait3A = arith.constant 0 : i32
        %dma_wait3A_45 = tpu.memref_slice %arg13[%dma_wait3A] : memref<524288xf32, #tpu.memory_space<vmem_shared>> -> memref<524288xf32, #tpu.memory_space<vmem_shared>>
        tpu.wait_indirect_dma semaphore(%run_scoped3A : memref<!tpu.dma_semaphore, #tpu.memory_space<semaphore_mem>>) src(%arg9 : memref<8192xf32, #tpu.memory_space<vmem>>) dst(%dma_wait3A_45 : memref<524288xf32, #tpu.memory_space<vmem_shared>>)
        tpu.yield
      }) : () -> ()
      %scan3A_43 = arith.constant 0 : i32
      scf.yield %scan3A_43 : i32
    }
    %scan3A_20 = arith.constant 16 : i32
    %barrier3A_21 = arith.constant 0 : index
    tpu.barrier barrier_id(%barrier3A_21)
    %scan3A_22 = arith.constant 0 : i32
    %scan3A_23 = arith.constant 0 : i32
    %scan3A_24 = arith.constant 4 : i32
    %scan3A_25 = arith.addi %scan3A_23, %scan3A_24 : i32
    %scan3A_26 = arith.constant 1 : i32
    %scan3A_27 = scf.for %scan3A_29 = %scan3A_23 to %scan3A_25 step %scan3A_26 iter_args(%scan3A_30 = %scan3A_22) -> (i32)  : i32 {
      %mul3A_31 = arith.constant 32768 : i32
      %mul3A_32 = arith.muli %arg1, %mul3A_31 : i32
      %mul3A_33 = arith.constant 8192 : i32
      %mul3A_34 = arith.muli %scan3A_29, %mul3A_33 : i32
      %add3A_35 = arith.addi %mul3A_32, %mul3A_34 : i32
      "tpu.region"() ({
        %run_scoped3A = tpu.sem_alloc : memref<!tpu.dma_semaphore, #tpu.memory_space<semaphore_mem>>
        %dma_start3A = tpu.memref_slice %arg12[%add3A_35] : memref<524288xf32, #tpu.memory_space<vmem_shared>> -> memref<8192xf32, #tpu.memory_space<vmem_shared>>
        %dma_start3A_37 = tpu.memref_slice %arg12[%add3A_35] : memref<524288xf32, #tpu.memory_space<vmem_shared>> -> memref<8192xf32, #tpu.memory_space<vmem_shared>>
        tpu.enqueue_dma source(%dma_start3A_37 : memref<8192xf32, #tpu.memory_space<vmem_shared>>) target(%arg11 : memref<8192xf32, #tpu.memory_space<vmem>>) target_semaphore(%run_scoped3A : memref<!tpu.dma_semaphore, #tpu.memory_space<semaphore_mem>>)
        %dma_wait3A = tpu.memref_slice %arg12[%add3A_35] : memref<524288xf32, #tpu.memory_space<vmem_shared>> -> memref<8192xf32, #tpu.memory_space<vmem_shared>>
        %dma_wait3A_38 = tpu.memref_slice %arg12[%add3A_35] : memref<524288xf32, #tpu.memory_space<vmem_shared>> -> memref<8192xf32, #tpu.memory_space<vmem_shared>>
        tpu.wait_dma2 semaphore(%run_scoped3A : memref<!tpu.dma_semaphore, #tpu.memory_space<semaphore_mem>>) src(%dma_wait3A_38 : memref<8192xf32, #tpu.memory_space<vmem_shared>>) dst(%arg11 : memref<8192xf32, #tpu.memory_space<vmem>>)
        tpu.yield
      }) : () -> ()
      "tpu.region"() ({
        %run_scoped3A = tpu.sem_alloc : memref<!tpu.dma_semaphore, #tpu.memory_space<semaphore_mem>>
        %dma_start3A = tpu.memref_slice %arg4[%arg0, %add3A_35] : memref<2x524288xf32, #tpu.memory_space<hbm>> -> memref<1x8192xf32, #tpu.memory_space<hbm>>
        %dma_start3A_37 = tpu.memref_squeeze %dma_start3A : memref<1x8192xf32, #tpu.memory_space<hbm>> -> memref<8192xf32, #tpu.memory_space<hbm>>
        %dma_start3A_38 = tpu.memref_slice %arg4[%arg0, %add3A_35] : memref<2x524288xf32, #tpu.memory_space<hbm>> -> memref<1x8192xf32, #tpu.memory_space<hbm>>
        %dma_start3A_39 = tpu.memref_squeeze %dma_start3A_38 : memref<1x8192xf32, #tpu.memory_space<hbm>> -> memref<8192xf32, #tpu.memory_space<hbm>>
        tpu.enqueue_dma source(%arg11 : memref<8192xf32, #tpu.memory_space<vmem>>) target(%dma_start3A_39 : memref<8192xf32, #tpu.memory_space<hbm>>) target_semaphore(%run_scoped3A : memref<!tpu.dma_semaphore, #tpu.memory_space<semaphore_mem>>)
        %dma_wait3A = tpu.memref_slice %arg4[%arg0, %add3A_35] : memref<2x524288xf32, #tpu.memory_space<hbm>> -> memref<1x8192xf32, #tpu.memory_space<hbm>>
        %dma_wait3A_40 = tpu.memref_squeeze %dma_wait3A : memref<1x8192xf32, #tpu.memory_space<hbm>> -> memref<8192xf32, #tpu.memory_space<hbm>>
        %dma_wait3A_41 = tpu.memref_slice %arg4[%arg0, %add3A_35] : memref<2x524288xf32, #tpu.memory_space<hbm>> -> memref<1x8192xf32, #tpu.memory_space<hbm>>
        %dma_wait3A_42 = tpu.memref_squeeze %dma_wait3A_41 : memref<1x8192xf32, #tpu.memory_space<hbm>> -> memref<8192xf32, #tpu.memory_space<hbm>>
        tpu.wait_dma2 semaphore(%run_scoped3A : memref<!tpu.dma_semaphore, #tpu.memory_space<semaphore_mem>>) src(%arg11 : memref<8192xf32, #tpu.memory_space<vmem>>) dst(%dma_wait3A_42 : memref<8192xf32, #tpu.memory_space<hbm>>)
        tpu.yield
      }) : () -> ()
      "tpu.region"() ({
        %run_scoped3A = tpu.sem_alloc : memref<!tpu.dma_semaphore, #tpu.memory_space<semaphore_mem>>
        %dma_start3A = tpu.memref_slice %arg13[%add3A_35] : memref<524288xf32, #tpu.memory_space<vmem_shared>> -> memref<8192xf32, #tpu.memory_space<vmem_shared>>
        %dma_start3A_37 = tpu.memref_slice %arg13[%add3A_35] : memref<524288xf32, #tpu.memory_space<vmem_shared>> -> memref<8192xf32, #tpu.memory_space<vmem_shared>>
        tpu.enqueue_dma source(%dma_start3A_37 : memref<8192xf32, #tpu.memory_space<vmem_shared>>) target(%arg11 : memref<8192xf32, #tpu.memory_space<vmem>>) target_semaphore(%run_scoped3A : memref<!tpu.dma_semaphore, #tpu.memory_space<semaphore_mem>>)
        %dma_wait3A = tpu.memref_slice %arg13[%add3A_35] : memref<524288xf32, #tpu.memory_space<vmem_shared>> -> memref<8192xf32, #tpu.memory_space<vmem_shared>>
        %dma_wait3A_38 = tpu.memref_slice %arg13[%add3A_35] : memref<524288xf32, #tpu.memory_space<vmem_shared>> -> memref<8192xf32, #tpu.memory_space<vmem_shared>>
        tpu.wait_dma2 semaphore(%run_scoped3A : memref<!tpu.dma_semaphore, #tpu.memory_space<semaphore_mem>>) src(%dma_wait3A_38 : memref<8192xf32, #tpu.memory_space<vmem_shared>>) dst(%arg11 : memref<8192xf32, #tpu.memory_space<vmem>>)
        tpu.yield
      }) : () -> ()
      "tpu.region"() ({
        %run_scoped3A = tpu.sem_alloc : memref<!tpu.dma_semaphore, #tpu.memory_space<semaphore_mem>>
        %dma_start3A = tpu.memref_slice %arg5[%arg0, %add3A_35] : memref<2x524288xf32, #tpu.memory_space<hbm>> -> memref<1x8192xf32, #tpu.memory_space<hbm>>
        %dma_start3A_37 = tpu.memref_squeeze %dma_start3A : memref<1x8192xf32, #tpu.memory_space<hbm>> -> memref<8192xf32, #tpu.memory_space<hbm>>
        %dma_start3A_38 = tpu.memref_slice %arg5[%arg0, %add3A_35] : memref<2x524288xf32, #tpu.memory_space<hbm>> -> memref<1x8192xf32, #tpu.memory_space<hbm>>
        %dma_start3A_39 = tpu.memref_squeeze %dma_start3A_38 : memref<1x8192xf32, #tpu.memory_space<hbm>> -> memref<8192xf32, #tpu.memory_space<hbm>>
        tpu.enqueue_dma source(%arg11 : memref<8192xf32, #tpu.memory_space<vmem>>) target(%dma_start3A_39 : memref<8192xf32, #tpu.memory_space<hbm>>) target_semaphore(%run_scoped3A : memref<!tpu.dma_semaphore, #tpu.memory_space<semaphore_mem>>)
        %dma_wait3A = tpu.memref_slice %arg5[%arg0, %add3A_35] : memref<2x524288xf32, #tpu.memory_space<hbm>> -> memref<1x8192xf32, #tpu.memory_space<hbm>>
        %dma_wait3A_40 = tpu.memref_squeeze %dma_wait3A : memref<1x8192xf32, #tpu.memory_space<hbm>> -> memref<8192xf32, #tpu.memory_space<hbm>>
        %dma_wait3A_41 = tpu.memref_slice %arg5[%arg0, %add3A_35] : memref<2x524288xf32, #tpu.memory_space<hbm>> -> memref<1x8192xf32, #tpu.memory_space<hbm>>
        %dma_wait3A_42 = tpu.memref_squeeze %dma_wait3A_41 : memref<1x8192xf32, #tpu.memory_space<hbm>> -> memref<8192xf32, #tpu.memory_space<hbm>>
        tpu.wait_dma2 semaphore(%run_scoped3A : memref<!tpu.dma_semaphore, #tpu.memory_space<semaphore_mem>>) src(%arg11 : memref<8192xf32, #tpu.memory_space<vmem>>) dst(%dma_wait3A_42 : memref<8192xf32, #tpu.memory_space<hbm>>)
        tpu.yield
      }) : () -> ()
      %scan3A_36 = arith.constant 0 : i32
      scf.yield %scan3A_36 : i32
    }
    %scan3A_28 = arith.constant 4 : i32
    return
  }
}

module attributes {stable_mosaic.version = 14 : i64} {
  func.func @_finalize_body(%arg0: memref<4x512x512xf32, #tpu.memory_space<vmem>>, %arg1: memref<4x512x512xf32, #tpu.memory_space<vmem>>, %arg2: memref<1x1xf32, #tpu.memory_space<vmem>>) attributes {dimension_semantics = [], scalar_prefetch = 0 : i64, scratch_operands = 0 : i64, tpu.core_type = #tpu.core_type<tc>} {
    %get3A = arith.constant 0 : index
    %get3A_0 = arith.constant 0 : index
    %get3A_1 = arith.constant 0 : index
    %get3A_2 = vector.load %arg0[%get3A, %get3A_0, %get3A_1] : memref<4x512x512xf32, #tpu.memory_space<vmem>>, vector<1x512x512xf32>
    %get3A_3 = vector.shape_cast %get3A_2 : vector<1x512x512xf32> to vector<512x512xf32>
    %get3A_4 = arith.constant 2 : index
    %get3A_5 = arith.constant 0 : index
    %get3A_6 = arith.constant 0 : index
    %get3A_7 = vector.load %arg0[%get3A_4, %get3A_5, %get3A_6] : memref<4x512x512xf32, #tpu.memory_space<vmem>>, vector<1x512x512xf32>
    %get3A_8 = vector.shape_cast %get3A_7 : vector<1x512x512xf32> to vector<512x512xf32>
    %add3A = arith.addf %get3A_3, %get3A_8 : vector<512x512xf32>
    %get3A_9 = arith.constant 1 : index
    %get3A_10 = arith.constant 0 : index
    %get3A_11 = arith.constant 0 : index
    %get3A_12 = vector.load %arg0[%get3A_9, %get3A_10, %get3A_11] : memref<4x512x512xf32, #tpu.memory_space<vmem>>, vector<1x512x512xf32>
    %get3A_13 = vector.shape_cast %get3A_12 : vector<1x512x512xf32> to vector<512x512xf32>
    %get3A_14 = arith.constant 3 : index
    %get3A_15 = arith.constant 0 : index
    %get3A_16 = arith.constant 0 : index
    %get3A_17 = vector.load %arg0[%get3A_14, %get3A_15, %get3A_16] : memref<4x512x512xf32, #tpu.memory_space<vmem>>, vector<1x512x512xf32>
    %get3A_18 = vector.shape_cast %get3A_17 : vector<1x512x512xf32> to vector<512x512xf32>
    %add3A_19 = arith.addf %get3A_13, %get3A_18 : vector<512x512xf32>
    %get3A_20 = arith.constant 0 : index
    %get3A_21 = arith.constant 0 : index
    %get3A_22 = arith.constant 0 : index
    %get3A_23 = vector.load %arg1[%get3A_20, %get3A_21, %get3A_22] : memref<4x512x512xf32, #tpu.memory_space<vmem>>, vector<1x512x512xf32>
    %get3A_24 = vector.shape_cast %get3A_23 : vector<1x512x512xf32> to vector<512x512xf32>
    %get3A_25 = arith.constant 1 : index
    %get3A_26 = arith.constant 0 : index
    %get3A_27 = arith.constant 0 : index
    %get3A_28 = vector.load %arg1[%get3A_25, %get3A_26, %get3A_27] : memref<4x512x512xf32, #tpu.memory_space<vmem>>, vector<1x512x512xf32>
    %get3A_29 = vector.shape_cast %get3A_28 : vector<1x512x512xf32> to vector<512x512xf32>
    %add3A_30 = arith.addf %get3A_24, %get3A_29 : vector<512x512xf32>
    %get3A_31 = arith.constant 2 : index
    %get3A_32 = arith.constant 0 : index
    %get3A_33 = arith.constant 0 : index
    %get3A_34 = vector.load %arg1[%get3A_31, %get3A_32, %get3A_33] : memref<4x512x512xf32, #tpu.memory_space<vmem>>, vector<1x512x512xf32>
    %get3A_35 = vector.shape_cast %get3A_34 : vector<1x512x512xf32> to vector<512x512xf32>
    %add3A_36 = arith.addf %add3A_30, %get3A_35 : vector<512x512xf32>
    %get3A_37 = arith.constant 3 : index
    %get3A_38 = arith.constant 0 : index
    %get3A_39 = arith.constant 0 : index
    %get3A_40 = vector.load %arg1[%get3A_37, %get3A_38, %get3A_39] : memref<4x512x512xf32, #tpu.memory_space<vmem>>, vector<1x512x512xf32>
    %get3A_41 = vector.shape_cast %get3A_40 : vector<1x512x512xf32> to vector<512x512xf32>
    %add3A_42 = arith.addf %add3A_36, %get3A_41 : vector<512x512xf32>
    %add3A_43 = arith.addf %add3A, %add3A_19 : vector<512x512xf32>
    %reduce_sum3A = vector.shape_cast %add3A_19 : vector<512x512xf32> to vector<1x512x512xf32>
    %reduce_sum3A_44 = arith.constant dense<0.000000e+00> : vector<1xf32>
    %reduce_sum3A_45 = vector.multi_reduction <add>, %reduce_sum3A, %reduce_sum3A_44 [1, 2] : vector<1x512x512xf32> to vector<1xf32>
    %reduce_sum3A_46 = vector.shape_cast %reduce_sum3A_45 : vector<1xf32> to vector<1x1x1xf32>
    %reduce_sum3A_47 = vector.extract %reduce_sum3A_46[0, 0, 0] : f32 from vector<1x1x1xf32>
    %iota3A = tpu.iota {dimensions = array<i32: 0>} : vector<512x512xi32>
    %iota3A_48 = tpu.iota {dimensions = array<i32: 1>} : vector<512x512xi32>
    %gt3A = arith.cmpi sgt, %iota3A, %iota3A_48 : vector<512x512xi32>
    %convert_element_type3A = arith.extui %gt3A : vector<512x512xi1> to vector<512x512xi32>
    %convert_element_type3A_49 = arith.sitofp %convert_element_type3A : vector<512x512xi32> to vector<512x512xf32>
    %dot_general3A = arith.constant dense<0.000000e+00> : vector<512x512xf32>
    %dot_general3A_50 = tpu.matmul %add3A_43, %convert_element_type3A_49, %dot_general3A {dimension_numbers = #tpu.dot_dimension_numbers<[1], [0], [0], [1], [0, 0, 1, 1], [], []>, transpose_lhs_hint = false} : vector<512x512xf32>, vector<512x512xf32>, vector<512x512xf32> -> vector<512x512xf32>
    %dot_general3A_51 = arith.constant dense<0.000000e+00> : vector<512x512xf32>
    %dot_general3A_52 = tpu.matmul %add3A_19, %convert_element_type3A_49, %dot_general3A_51 {dimension_numbers = #tpu.dot_dimension_numbers<[1], [0], [0], [1], [0, 0, 1, 1], [], []>, transpose_lhs_hint = false} : vector<512x512xf32>, vector<512x512xf32>, vector<512x512xf32> -> vector<512x512xf32>
    %reduce_sum3A_53 = arith.constant dense<0.000000e+00> : vector<512xf32>
    %reduce_sum3A_54 = vector.multi_reduction <add>, %add3A_43, %reduce_sum3A_53 [1] : vector<512x512xf32> to vector<512xf32>
    %broadcast_in_dim3A = vector.shape_cast %reduce_sum3A_54 : vector<512xf32> to vector<512x1xf32>
    %reduce_sum3A_55 = arith.constant dense<0.000000e+00> : vector<512xf32>
    %reduce_sum3A_56 = vector.multi_reduction <add>, %add3A_19, %reduce_sum3A_55 [1] : vector<512x512xf32> to vector<512xf32>
    %broadcast_in_dim3A_57 = vector.shape_cast %reduce_sum3A_56 : vector<512xf32> to vector<512x1xf32>
    %gt3A_58 = arith.cmpi sgt, %iota3A_48, %iota3A : vector<512x512xi32>
    %convert_element_type3A_59 = arith.extui %gt3A_58 : vector<512x512xi1> to vector<512x512xi32>
    %convert_element_type3A_60 = arith.sitofp %convert_element_type3A_59 : vector<512x512xi32> to vector<512x512xf32>
    %dot_general3A_61 = arith.constant dense<0.000000e+00> : vector<512x1xf32>
    %dot_general3A_62 = tpu.matmul %convert_element_type3A_60, %broadcast_in_dim3A, %dot_general3A_61 {dimension_numbers = #tpu.dot_dimension_numbers<[1], [0], [0], [1], [0, 0, 1, 1], [], []>, transpose_lhs_hint = false} : vector<512x512xf32>, vector<512x1xf32>, vector<512x1xf32> -> vector<512x1xf32>
    %add3A_63 = vector.broadcast %dot_general3A_62 : vector<512x1xf32> to vector<512x512xf32>
    %add3A_64 = arith.addf %dot_general3A_50, %add3A_63 : vector<512x512xf32>
    %dot_general3A_65 = arith.constant dense<0.000000e+00> : vector<512x1xf32>
    %dot_general3A_66 = tpu.matmul %convert_element_type3A_60, %broadcast_in_dim3A_57, %dot_general3A_65 {dimension_numbers = #tpu.dot_dimension_numbers<[1], [0], [0], [1], [0, 0, 1, 1], [], []>, transpose_lhs_hint = false} : vector<512x512xf32>, vector<512x1xf32>, vector<512x1xf32> -> vector<512x1xf32>
    %add3A_67 = vector.broadcast %dot_general3A_66 : vector<512x1xf32> to vector<512x512xf32>
    %add3A_68 = arith.addf %dot_general3A_52, %add3A_67 : vector<512x512xf32>
    %sub3A = arith.subf %add3A_64, %add3A_68 : vector<512x512xf32>
    %add3A_69 = arith.addf %sub3A, %add3A : vector<512x512xf32>
    %sub3A_70 = vector.broadcast %reduce_sum3A_47 : f32 to vector<512x512xf32>
    %sub3A_71 = arith.subf %sub3A_70, %add3A_68 : vector<512x512xf32>
    %mul3A = arith.mulf %sub3A_71, %add3A : vector<512x512xf32>
    %add3A_72 = vector.broadcast %reduce_sum3A_47 : f32 to vector<512x512xf32>
    %add3A_73 = arith.addf %add3A_72, %sub3A : vector<512x512xf32>
    %mul3A_74 = arith.mulf %add3A_19, %add3A_73 : vector<512x512xf32>
    %add3A_75 = arith.addf %mul3A, %mul3A_74 : vector<512x512xf32>
    %add3A_76 = vector.broadcast %reduce_sum3A_47 : f32 to vector<512x512xf32>
    %add3A_77 = arith.addf %add3A_76, %sub3A : vector<512x512xf32>
    %add3A_78 = vector.broadcast %reduce_sum3A_47 : f32 to vector<512x512xf32>
    %add3A_79 = arith.addf %add3A_78, %add3A_69 : vector<512x512xf32>
    %mul3A_80 = arith.mulf %add3A_77, %add3A_79 : vector<512x512xf32>
    %gt3A_81 = arith.constant 0.000000e+00 : f32
    %gt3A_82 = vector.broadcast %gt3A_81 : f32 to vector<512x512xf32>
    %gt3A_83 = arith.cmpf ogt, %mul3A_80, %gt3A_82 : vector<512x512xf32>
    %gt3A_84 = arith.constant 0.000000e+00 : f32
    %gt3A_85 = vector.broadcast %gt3A_84 : f32 to vector<512x512xf32>
    %gt3A_86 = arith.cmpf ogt, %mul3A_80, %gt3A_85 : vector<512x512xf32>
    %jit3A = arith.constant 1.000000e+00 : f32
    %broadcast_in_dim3A_87 = vector.broadcast %jit3A : f32 to vector<512x512xf32>
    %select_n3A = arith.select %gt3A_86, %mul3A_80, %broadcast_in_dim3A_87 : vector<512x512xi1>, vector<512x512xf32>
    %div3A = arith.divf %add3A_75, %select_n3A : vector<512x512xf32>
    %jit3A_88 = arith.constant 0.000000e+00 : f32
    %broadcast_in_dim3A_89 = vector.broadcast %jit3A_88 : f32 to vector<512x512xf32>
    %select_n3A_90 = arith.select %gt3A_83, %div3A, %broadcast_in_dim3A_89 : vector<512x512xi1>, vector<512x512xf32>
    %eq3A = arith.constant 0.000000e+00 : f32
    %eq3A_91 = vector.broadcast %eq3A : f32 to vector<512x512xf32>
    %eq3A_92 = arith.cmpf oeq, %add3A_64, %eq3A_91 : vector<512x512xf32>
    %gt3A_93 = arith.constant 0.000000e+00 : f32
    %gt3A_94 = vector.broadcast %gt3A_93 : f32 to vector<512x512xf32>
    %gt3A_95 = arith.cmpf ogt, %add3A_43, %gt3A_94 : vector<512x512xf32>
    %and3A = arith.andi %eq3A_92, %gt3A_95 : vector<512x512xi1>
    %convert_element_type3A_96 = arith.extui %and3A : vector<512x512xi1> to vector<512x512xi32>
    %convert_element_type3A_97 = arith.sitofp %convert_element_type3A_96 : vector<512x512xi32> to vector<512x512xf32>
    %gt3A_98 = arith.constant 0.000000e+00 : f32
    %gt3A_99 = arith.cmpf ogt, %reduce_sum3A_47, %gt3A_98 : f32
    %select_n3A_100 = arith.select %gt3A_99, %select_n3A_90, %convert_element_type3A_97 : vector<512x512xf32>
    %gt3A_101 = arith.constant 0.000000e+00 : f32
    %gt3A_102 = vector.broadcast %gt3A_101 : f32 to vector<512x512xf32>
    %gt3A_103 = arith.cmpf ogt, %add3A_43, %gt3A_102 : vector<512x512xf32>
    %gt3A_104 = arith.constant 0.000000e+00 : f32
    %gt3A_105 = vector.broadcast %gt3A_104 : f32 to vector<512x512xf32>
    %gt3A_106 = arith.cmpf ogt, %add3A_43, %gt3A_105 : vector<512x512xf32>
    %jit3A_107 = arith.constant 1.000000e+00 : f32
    %broadcast_in_dim3A_108 = vector.broadcast %jit3A_107 : f32 to vector<512x512xf32>
    %select_n3A_109 = arith.select %gt3A_106, %add3A_43, %broadcast_in_dim3A_108 : vector<512x512xi1>, vector<512x512xf32>
    %div3A_110 = arith.divf %add3A_42, %select_n3A_109 : vector<512x512xf32>
    %jit3A_111 = arith.constant 0.000000e+00 : f32
    %broadcast_in_dim3A_112 = vector.broadcast %jit3A_111 : f32 to vector<512x512xf32>
    %select_n3A_113 = arith.select %gt3A_103, %div3A_110, %broadcast_in_dim3A_112 : vector<512x512xi1>, vector<512x512xf32>
    %mul3A_114 = arith.mulf %select_n3A_113, %select_n3A_100 : vector<512x512xf32>
    %reduce_sum3A_115 = vector.shape_cast %mul3A_114 : vector<512x512xf32> to vector<1x512x512xf32>
    %reduce_sum3A_116 = arith.constant dense<0.000000e+00> : vector<1xf32>
    %reduce_sum3A_117 = vector.multi_reduction <add>, %reduce_sum3A_115, %reduce_sum3A_116 [1, 2] : vector<1x512x512xf32> to vector<1xf32>
    %reduce_sum3A_118 = vector.shape_cast %reduce_sum3A_117 : vector<1xf32> to vector<1x1x1xf32>
    %reduce_sum3A_119 = vector.extract %reduce_sum3A_118[0, 0, 0] : f32 from vector<1x1x1xf32>
    %broadcast_in_dim3A_120 = vector.broadcast %reduce_sum3A_119 : f32 to vector<1x1xf32>
    %swap3A = arith.constant 0 : index
    %swap3A_121 = arith.constant 0 : index
    %swap3A_122 = vector.load %arg2[%swap3A, %swap3A_121] : memref<1x1xf32, #tpu.memory_space<vmem>>, vector<1x1xf32>
    tpu.vector_store %arg2[%swap3A, %swap3A_121], %broadcast_in_dim3A_120 {strides = array<i32>} : memref<1x1xf32, #tpu.memory_space<vmem>>, vector<1x1xf32>,
    return
  }
}

</mosaic_0001>

<sc_bundles>
// kernel: kernel.4.cloned.1.call-start
scs
__scs_entry_jumppad:
0x0: {  	(pc) =	sbr.rel $0x88, $3  }
0x1: {  	(tag) =	ssettag $0x0;
	lr =	simm.s32 $0x1  }
0x2: {  	[smem:$0x3F9F] =	sst lr;
	_ =	strace $0xD0000000  }
0x3: {  	_ = 	snop  }
0x4: {  	_ = 	snop  }
0x5: {  	_ = 	snop  }
0x6: {  	_ = 	snop  }
0x7: {  	_ = 	snop  }
__scs_overlays_trampoline_lowered:
0x8: {  	[smem:$0x3FAE] =	sst s0  }
0x9: {  	[smem:$0x3FAF] =	sst s1  }
0xa: {  	[smem:$0x3FB0] =	sst s2  }
0xb: {  	[smem:$0x3FB1] =	sst s3  }
0xc: {  	[smem:$0x3FB2] =	sst s4  }
0xd: {  	[smem:$0x3FB3] =	sst s5  }
0xe: {  	[smem:$0x3FB4] =	sst s6  }
0xf: {  	[smem:$0x3FB5] =	sst s7  }
0x10: {  	[smem:$0x3FB6] =	sst s8  }
0x11: {  	[smem:$0x3FB7] =	sst s9;
	s0 =	simm.s32 @!p0 $0x0  }
0x12: {  	s1 =	sld [smem:$0x3F9D];
	s0 =	simm.s32 @p0 $0x1  }
0x13: {  	[smem:$0x3FB8] =	sst s0;
	s0 =	simm.s32 @!p1 $0x0  }
0x14: {  	s2 =	sld [smem:$0x3F9C];
	s0 =	simm.s32 @p1 $0x1  }
0x15: {  	[smem:$0x3FB9] =	sst s0;
	s0 =	simm.s32 @!p2 $0x0  }
0x16: {  	s3 =	sld [smem:$0x3FDB];
	s0 =	simm.s32 @p2 $0x1  }
0x17: {  	s4 =	simm.s32 $0x1BF5;
	[smem:$0x3FBB] =	sst s0  }
0x18: {  	s0 =	sld [smem:$0x3F9E];
	_ =	swait.ge [sflag:s4], $0x0  }
0x19: {  	s7 =	sld [smem:$0x3F9F]  }
0x1a: {  	s8 =	sadd.s32 $0xFFFFE003, lr  }
0x1b: {  	s9 =	sadd.s32 $0xFFFFFEF7, lr;
	s5 =	simm.s32 $0xFFFFFFFF;
	p2 =	slt.u32 s8, $0xFFFFF086  }
0x1c: {  	p1 =	slt.u32 s9, $0xF7A;
	s5 =	simm.s32 @!p2 $0x0  }
0x1d: {  	s5 =	simm.s32 @p1 $0x1;
	p0 =	seq.s32 s7, s2  }
0x1e: {  	s7 =	smul.u32 @!p0 $0xF7A, s2;
	p2 =	seq.s32 @!p0 s5, $0x0  }
0x1f: {  	s9 =	smul.u32 $0xF7A, s1;
	s8 =	simm.s32 @!p0 $0x1BF5;
	p2 =	por !p2, p0  }
0x20: {  	[sflag:s8] =	ssyncset.s32 @!p0 $0xFFFFF086;
	s6 =	sadd.s32 @!p0 s3, s7;
	s7 =	simm.s32 @!p0 $0x108  }
0x21: {  	s3 =	sadd.s32 s3, s9;
	s6 =	sadd.s32 @!p0 $0x88, s6;
	s7 =	simm.s32 @p2 $0x1082  }
0x22: {  	[simem:s7], [sflag:s8] =	dma.local @!p0 [hbm:s6], $0xF7A  }
0x23: {  	s9 =	sor.u32 $0xD0000000, s2;
	s6 =	simm.s32 $0x108;
	_ =	swait.ge @!p0 [sflag:s8], $0x0  }
0x24: {  	s3 =	sadd.s32 $0x88, s3;
	s6 =	simm.s32 @!p1 $0x1082;
	[sflag:s4] =	ssyncset.s32 $0xFFFFF086  }
0x25: {  	[simem:s6], [sflag:s4] =	dma.local [hbm:s3], $0xF7A  }
0x26: {  	[smem:$0x3F9F] =	sst s1;
	(tag) =	ssettag s2;
	_ =	strace s9  }
0x27: {  	s1 =	sld [smem:$0x3FAF]  }
0x28: {  	s2 =	sld [smem:$0x3FB0]  }
0x29: {  	s4 =	sld [smem:$0x3FB2]  }
0x2a: {  	p0 =	seq.s32 s5, $0x0;
	s5 =	sld [smem:$0x3FB3]  }
0x2b: {  	s6 =	sld [smem:$0x3FB4]  }
0x2c: {  	s7 =	sld [smem:$0x3FB5]  }
0x2d: {  	s3 =	simm.s32 $0x108;
	s8 =	sld [smem:$0x3FB6]  }
0x2e: {  	s3 =	simm.s32 @!p0 $0x1082;
	s9 =	sld [smem:$0x3FB7]  }
0x2f: {  	lr =	sadd.s32 s0, s3;
	s0 =	sld [smem:$0x3FAE]  }
0x30: {  	s3 =	sld [smem:$0x3FB1]  }
0x31: {  	[smem:$0x3FBA] =	sst s10  }
0x32: {  	s10 =	sld [smem:$0x3FB8];
	_ =	sdelay $0x3  }
0x33: {  	p0 =	seq.s32 s10, $0x1;
	s10 =	sld [smem:$0x3FBA];
	_ =	sdelay $0x3  }
0x34: {  	[smem:$0x3FBA] =	sst s10  }
0x35: {  	s10 =	sld [smem:$0x3FB9];
	_ =	sdelay $0x3  }
0x36: {  	p1 =	seq.s32 s10, $0x1;
	s10 =	sld [smem:$0x3FBA];
	_ =	sdelay $0x3  }
0x37: {  	[smem:$0x3FBA] =	sst s10  }
0x38: {  	s10 =	sld [smem:$0x3FBB]  }
0x39: {  	_ = 	snop;
	(pc) =	sbr.ind lr, $3  }
0x3a: {  	_ = 	snop  }
0x3b: {  	_ = 	snop  }
0x3c: {  	p2 =	seq.s32 s10, $0x1;
	s10 =	sld [smem:$0x3FBA]  }
0x3d: {  	_ =	shalt  }
0x3e: {  	_ =	shalt  }
0x3f: {  	_ =	shalt  }
0x40: {  	_ =	shalt  }
0x41: {  	_ =	shalt  }
0x42: {  	_ =	shalt  }
0x43: {  	_ =	shalt  }
0x44: {  	_ =	shalt  }
0x45: {  	_ =	shalt  }
0x46: {  	_ =	shalt  }
0x47: {  	_ =	shalt  }
0x48: {  	_ =	shalt  }
0x49: {  	_ =	shalt  }
0x4a: {  	_ =	shalt  }
0x4b: {  	_ =	shalt  }
0x4c: {  	_ =	shalt  }
0x4d: {  	_ =	shalt  }
0x4e: {  	_ =	shalt  }
0x4f: {  	_ =	shalt  }
0x50: {  	_ =	shalt  }
0x51: {  	_ =	shalt  }
0x52: {  	_ =	shalt  }
0x53: {  	_ =	shalt  }
0x54: {  	_ =	shalt  }
0x55: {  	_ =	shalt  }
0x56: {  	_ =	shalt  }
0x57: {  	_ =	shalt  }
0x58: {  	_ =	shalt  }
0x59: {  	_ =	shalt  }
0x5a: {  	_ =	shalt  }
0x5b: {  	_ =	shalt  }
0x5c: {  	_ =	shalt  }
0x5d: {  	_ =	shalt  }
0x5e: {  	_ =	shalt  }
0x5f: {  	_ =	shalt  }
0x60: {  	_ =	shalt  }
0x61: {  	_ =	shalt  }
0x62: {  	_ =	shalt  }
0x63: {  	_ =	shalt  }
0x64: {  	_ =	shalt  }
0x65: {  	_ =	shalt  }
0x66: {  	_ =	shalt  }
0x67: {  	_ =	shalt  }
0x68: {  	_ =	shalt  }
0x69: {  	_ =	shalt  }
0x6a: {  	_ =	shalt  }
0x6b: {  	_ =	shalt  }
0x6c: {  	_ =	shalt  }
0x6d: {  	_ =	shalt  }
0x6e: {  	_ =	shalt  }
0x6f: {  	_ =	shalt  }
0x70: {  	_ =	shalt  }
0x71: {  	_ =	shalt  }
0x72: {  	_ =	shalt  }
0x73: {  	_ =	shalt  }
0x74: {  	_ =	shalt  }
0x75: {  	_ =	shalt  }
0x76: {  	_ =	shalt  }
0x77: {  	_ =	shalt  }
0x78: {  	_ =	shalt  }
0x79: {  	_ =	shalt  }
0x7a: {  	_ =	shalt  }
0x7b: {  	_ =	shalt  }
0x7c: {  	_ =	shalt  }
0x7d: {  	_ =	shalt  }
0x7e: {  	_ =	shalt  }
0x7f: {  	_ =	shalt  }
0x80: {  	_ =	shalt  }
0x81: {  	_ =	shalt  }
0x82: {  	_ =	shalt  }
0x83: {  	_ =	shalt  }
0x84: {  	_ =	shalt  }
0x85: {  	_ =	shalt  }
0x86: {  	_ =	shalt  }
0x87: {  	_ =	shalt  }
.Lfunc_end0:
.L_simem_size_0:
called_computation_lowered:
.L_overlay_start_0:
0x88: {  	s2 =	sld [smem:$0x3FD9]  }
0x89: {  	s3 =	sld [smem:$0x3FFE];
	_ =	sdelay $0x1  }
0x8a: {  	s1 =	srdreg.scid  }
0x8b: {  	s0 =	sand.u32 $0x1, s1  }
0x8c: {  	s16 =	sshll.u32 s0, $0xA;
	s2 =	sadd.s32 s3, s2  }
0x8d: {  	s2 =	sadd.s32 s2, s16  }
0x8e: {  	[smem:$0x3FC6] =	sst s2  }
0x8f: {  	_ = 	snop  }
0x90: {  	(tm) =	ssettm $0x1  }
0x91: {  	s17 =	sld [smem:$0x3FFB];
	_ =	sdelay $0x3  }
0x92: {  	_ =	strace s17  }
0x93: {  	s2 =	sld [smem:$0x3FFC];
	_ =	sdelay $0x3  }
0x94: {  	_ =	strace s2  }
0x95: {  	s2 =	sld [smem:$0x3FFD];
	_ =	sdelay $0x3  }
0x96: {  	_ =	strace s2  }
0x97: {  	_ =	strace $0x8FFFFFFF  }
0x98: {  	s18 =	sld [smem:$0x3FDB];
	_ =	sdelay $0x1  }
0x99: {  	s19 =	simm.s32 $_scs_section_size  }
0x9a: {  	s4 =	simm.s32 $_size__tile_overlayer_lowered;
	s5 =	simm.s32 $_tile_overlayer_lowered  }
0x9b: {  	s22 =	simm.s32 $0x1BFF;
	s21 =	sshll.u32 s5, $0x1;
	s2 =	sadd.s32 s19, s18  }
0x9c: {  	s6 =	simm.s32 $0x0;
	s20 =	sshll.u32 s4, $0x1;
	s4 =	sadd.s32 s21, s2  }
0x9d: {  	[timem:s6], [sflag:s22] =	dma.local [hbm:s4], s20  }
0x9e: {  	_ =	swait.ge [sflag:s22], s20  }
0x9f: {  	s3 =	ssub.s32 $0x0, s20;
	[sflag:s22] =	ssyncset.done $0x0  }
0xa0: {  	[sflag:s22] =	ssyncadd.s32 s3;
	_ =	sdelay $0x1  }
0xa1: {  	s23 =	simm.s32 $0x1B8B  }
0xa2: {  	_ =	swait.ge [sflag:s23], $0x1  }
0xa3: {  	[sflag:s23] =	ssyncset.done $0x0  }
0xa4: {  	s25 =	simm.s32 $0x1B8E;
	s24 =	sld [smem:$0x3FFE];
	[sflag:s23] =	ssyncadd.s32 $0xFFFFFFFF  }
0xa5: {  	s26 =	simm.s32 $execute0_lowered;
	[smem:$0x3FD2] =	sst s25  }
0xa6: {  	s4 =	sshll.u32 s26, $0x1;
	_ =	strace $0x80000046;
	[dreg:$0x1] =	wrdreg $0xFFFFFFFF  }
0xa7: {  	s28 =	simm.s32 $_size_execute0_lowered;
	s2 =	sadd.s32 s2, s4;
	[dreg:$0x0] =	wrdreg $0x0  }
0xa8: {  	s4 =	sshll.u32 s28, $0x1;
	[dreg:$0x2] =	wrdreg s2  }
0xa9: {  	[dreg:$0x3] =	wrdreg s4  }
0xaa: {  	[dreg:$0x4] =	wrdreg $0xC0  }
0xab: {  	_ =	task [dreg:s6], $0x5FFFF  }
0xac: {  	[dreg:$0x1] =	wrdreg $0xFFFFFFFF  }
0xad: {  	[dreg:$0x0] =	wrdreg $0x60  }
0xae: {  	[dreg:$0x2] =	wrdreg s24  }
0xaf: {  	[dreg:$0x3] =	wrdreg $0xC0000  }
0xb0: {  	[dreg:$0x4] =	wrdreg $0x140000  }
0xb1: {  	[dreg:$0x5] =	wrdreg $0x9  }
0xb2: {  	_ =	task.clear_ibuf [dreg:s6], $0x6FFFF;
	_ =	strace $0x90000046  }
0xb3: {  	s29 =	simm.s32 $0x9;
	_ =	strace $0x80000048  }
0xb4: {  	_ =	swait.ge [sflag:s29], $0x1  }
0xb5: {  	[sflag:s29] =	ssyncadd.s32 $0xFFFFFFFF  }
0xb6: {  	_ =	strace $0x90000048  }
0xb7: {  	_ =	sfence  }
0xb8: {  	s30 =	sld [smem:$0x0];
	_ =	sdelay $0x2  }
0xb9: {  	s31 =	sshll.u32 s1, $0xD;
	s1 =	sshrl.u32 s1, $0x2  }
0xba: {  	s3 =	sand.u32 $0x4000, s31;
	s1 =	sadd.s32 s1, s30  }
0xbb: {  	s0 =	sor.u32 s3, s0;
	s1 =	sshll.u32 s1, $0x11  }
0xbc: {  	s0 =	sor.u32 s1, s0  }
0xbd: {  	s0 =	sadd.s32 $0x8F2B, s0  }
0xbe: {  	[sflag:s0] =	ssyncadd.remote.s32 $0x1  }
0xbf: {  	_ =	sfence.sel $0xFFFF  }
0xc0: {  	[dreg:$0x0] =	wrdreg $0xFFFFFFFF;
	(pc) =	sbr.abs _section_cstart, $3  }
0xc1: {  	[dreg:$0x1] =	wrdreg $0xFFFFFFFF  }
0xc2: {  	_ =	task.clear_ibuf [dreg:s6], $0x2FFFF;
	_ =	strace $0x9FFFFFFF  }
0xc3: {  	(tm) =	ssettm $0x7FFFFFFF  }
tec
execute0_lowered:
.L_overlay_start_1:
0x0: {  	(tag) =	ssettag $0x1  }
0x1: {  	s0 =	rddreg [dreg:$0x0]  }
0x2: {  	s1 =	rddreg [dreg:$0x1]  }
0x3: {  	s2 =	rddreg [dreg:$0x2];
	s3 =	simm.s32 $0x0  }
0x4: {  	s5 =	srdreg.scid;
	s15 =	stileid.u32;
	s28 =	simm.s32 $0x2000  }
0x5: {  	s29 =	simm.s32 $0x4000;
	s30 =	simm.s32 $0x8000;
	s31 =	simm.s32 $0x6000  }
0x6: {  	[smem:$0x7FF] =	sst s3;
	s4 =	sadd.s32 $0xA00, s0;
	s6 =	sadd.s32 $0x80A00, s0  }
0x7: {  	s5 =	sand.u32 $0x1, s5;
	s9 =	sadd.s32 $0x100A00, s0;
	s0 =	sadd.s32 $0x120A00, s0  }
0x8: {  	s14 =	sshll.u32 s15, $0xF;
	s16 =	sshll.u32 s15, $0x10;
	_ =	strace $0x80000047  }
0x9: {  	s7 =	ssub.s32 $0x2, s5;
	s24 =	sshll.u32 s5, $0xE;
	s5 =	sshll.u32 s5, $0x7  }
0xa: {  	s17 =	sor.u32 $0x2000, s14;
	s18 =	sor.u32 $0x4000, s14;
	s19 =	sor.u32 $0x6000, s14  }
0xb: {  	s8 =	sshrl.u32 s7, $0x1;
	s11 =	sadd.s32 s17, s1;
	s12 =	sadd.s32 s17, s2  }
0xc: {  	s13 =	sadd.s32 s18, s1;
	s15 =	sadd.s32 s19, s1;
	s20 =	sor.u32 s5, s16  }
0xd: {  	s16 =	sadd.s32 s19, s2;
	s17 =	sshll.u32 s17, $0x1;
	s19 =	sshll.u32 s19, $0x1  }
0xe: {  	s10 =	ssub.s32 s7, s8;
	s7 =	sor.u32 s24, s14;
	s8 =	sadd.s32 s14, s1  }
0xf: {  	s20 =	sshrl.u32 s20, $0x3;
	s17 =	sor.u32 s5, s17;
	s10 =	smax.u32 s10, $0x1  }
0x10: {  	s21 =	sadd.s32 s9, s20;
	s20 =	sadd.s32 s0, s20;
	[dreg:$0x4] =	wrdreg s10  }
0x11: {  	s17 =	sshrl.u32 s17, $0x3;
	s10 =	sadd.s32 s14, s2;
	[dreg:$0x5] =	wrdreg s21  }
0x12: {  	s14 =	sadd.s32 s18, s2;
	[dreg:$0x6] =	wrdreg s20;
	s25 =	sadd.s32 s9, s17  }
0x13: {  	s18 =	sshll.u32 s18, $0x1;
	s17 =	sadd.s32 s0, s17;
	[dreg:$0x7] =	wrdreg s25  }
0x14: {  	s18 =	sor.u32 s5, s18;
	s5 =	sor.u32 s5, s19;
	[dreg:$0x8] =	wrdreg s17  }
0x15: {  	s25 =	simm.s32 $0xA000;
	s26 =	sshrl.u32 s18, $0x3;
	s5 =	sshrl.u32 s5, $0x3  }
0x16: {  	s18 =	sadd.s32 s9, s26;
	s17 =	sadd.s32 s0, s26;
	s23 =	sadd.s32 s9, s5  }
0x17: {  	s24 =	sadd.s32 s0, s5;
	s26 =	simm.s32 $0x1;
	[dreg:$0x9] =	wrdreg s18  }
0x18: {  	v0 =	vimm.f32 $0.0e+00;
	v1 =	vimm.f32 $1.000000000e+00;
	s0 =	simm.s32 $0x80;
	s5 =	simm.s32 $0x100;
	[dreg:$0xa] =	wrdreg s17  }
.LBB2_1:
0x19: {  	s9 =	simm.s32 $0x40;
	s17 =	simm.s32 $0x0  }
.LBB2_2:
0x1a: {  	p0 =	sne.s32 s9, $0x7FC0;
	[tilespmem:s17+$0xA000] =	vst v0;
	s18 =	smov.u32 s9;
	s9 =	sadd.s32 $0x40, s9  }
.Ltmp0:
0x1b: {  	[tilespmem:s17+$0x8000] =	vst v1;
	(pc) =	sbr.rel @p0 .LBB2_2-.Ltmp0, $2  }
0x1c: {  	_ =	sdelay $0x2  }
0x1d: {  	s17 =	sshra.s32 s18, $0x2  }
0x1e: {  	[tilespmem:s17+$0xA000] =	vst v0  }
0x1f: {  	[tilespmem:s17+$0x8000] =	vst v1  }
0x20: {  	[spmem:s8] =	stream.linear.scatter [tilespmem:s25], [sflag:$0x1], $0x2000, $0x38;
	[tilespmem:$0x1C000] =	vst v63  }
0x21: {  	_ =	swait.ge [sflag:s26], $0x2000  }
0x22: {  	[sflag:s26] =	ssyncset.done $0x0  }
0x23: {  	[sflag:s26] =	ssyncadd.s32 $0xFFFFE000  }
0x24: {  	[spmem:s10] =	stream.linear.scatter [tilespmem:s25], [sflag:$0x1], $0x2000, $0x38;
	[tilespmem:$0x1C000] =	vst v63  }
0x25: {  	_ =	swait.ge [sflag:s26], $0x2000  }
0x26: {  	[sflag:s26] =	ssyncset.done $0x0  }
0x27: {  	[sflag:s26] =	ssyncadd.s32 $0xFFFFE000  }
0x28: {  	[spmem:s11] =	stream.linear.scatter [tilespmem:s25], [sflag:$0x1], $0x2000, $0x38;
	[tilespmem:$0x1C000] =	vst v63  }
0x29: {  	_ =	swait.ge [sflag:s26], $0x2000  }
0x2a: {  	[sflag:s26] =	ssyncset.done $0x0  }
0x2b: {  	[sflag:s26] =	ssyncadd.s32 $0xFFFFE000  }
0x2c: {  	[spmem:s12] =	stream.linear.scatter [tilespmem:s25], [sflag:$0x1], $0x2000, $0x38;
	[tilespmem:$0x1C000] =	vst v63  }
0x2d: {  	_ =	swait.ge [sflag:s26], $0x2000  }
0x2e: {  	[sflag:s26] =	ssyncset.done $0x0  }
0x2f: {  	[sflag:s26] =	ssyncadd.s32 $0xFFFFE000  }
0x30: {  	[spmem:s13] =	stream.linear.scatter [tilespmem:s25], [sflag:$0x1], $0x2000, $0x38;
	[tilespmem:$0x1C000] =	vst v63  }
0x31: {  	_ =	swait.ge [sflag:s26], $0x2000  }
0x32: {  	[sflag:s26] =	ssyncset.done $0x0  }
0x33: {  	[sflag:s26] =	ssyncadd.s32 $0xFFFFE000  }
0x34: {  	[spmem:s14] =	stream.linear.scatter [tilespmem:s25], [sflag:$0x1], $0x2000, $0x38;
	[tilespmem:$0x1C000] =	vst v63  }
0x35: {  	_ =	swait.ge [sflag:s26], $0x2000  }
0x36: {  	[sflag:s26] =	ssyncset.done $0x0  }
0x37: {  	[sflag:s26] =	ssyncadd.s32 $0xFFFFE000  }
0x38: {  	[spmem:s15] =	stream.linear.scatter [tilespmem:s25], [sflag:$0x1], $0x2000, $0x38;
	[tilespmem:$0x1C000] =	vst v63  }
0x39: {  	_ =	swait.ge [sflag:s26], $0x2000  }
0x3a: {  	[sflag:s26] =	ssyncset.done $0x0  }
0x3b: {  	[sflag:s26] =	ssyncadd.s32 $0xFFFFE000  }
0x3c: {  	[spmem:s16] =	stream.linear.scatter [tilespmem:s25], [sflag:$0x1], $0x2000, $0x38;
	[tilespmem:$0x1C000] =	vst v63  }
0x3d: {  	_ =	swait.ge [sflag:s26], $0x2000  }
0x3e: {  	[sflag:s26] =	ssyncset.done $0x0  }
0x3f: {  	[sflag:s26] =	ssyncadd.s32 $0xFFFFE000  }
0x40: {  	s9 =	simm.s32 $0x0;
	s17 =	simm.s32 $0x0;
	[bflag:$0x0] =	sbarrier.arrive $0xFFFF  }
.LBB2_4:
0x41: {  	s18 =	sshll.u32 s17, $0xA  }
0x42: {  	s18 =	sadd.s32 s7, s18  }
0x43: {  	s19 =	sadd.s32 s4, s18  }
0x44: {  	[tilespmem:s9], [sflag:$0x1] =	stream.linear.gather [hbm4b:s19+s9], $0x2000, $0x38;
	[tilespmem:$0x1C000] =	vst v63  }
0x45: {  	_ =	swait.ge [sflag:s26], $0x2000  }
0x46: {  	[sflag:s26] =	ssyncset.done $0x0  }
0x47: {  	s18 =	sadd.s32 s6, s18;
	[sflag:s26] =	ssyncadd.s32 $0xFFFFE000  }
0x48: {  	[tilespmem:s28], [sflag:$0x1] =	stream.linear.gather [hbm4b:s18+s9], $0x2000, $0x38;
	[tilespmem:$0x1C000] =	vst v63  }
0x49: {  	_ =	swait.ge [sflag:s26], $0x2000  }
0x4a: {  	[sflag:s26] =	ssyncset.done $0x0  }
0x4b: {  	s19 =	simm.s32 $0x0;
	[sflag:s26] =	ssyncadd.s32 $0xFFFFE000  }
0x4c: {  	v8 =	vld [tilespmem:s19+$0x2000];
	_ =	sdelay $0x4  }
0x4d: {  	v4 =	vcvt.s32.f32 v8  }
0x4e: {  	s18 =	simm.s32 $0x10;
	v3 =	vld [tilespmem:s19+$0x0]  }
0x4f: {  	v2 =	vld [tilespmem:s18+$0x2000];
	v4 =	vadd.f32 v4, v4;
	_ =	sdelay $0x1  }
0x50: {  	v4 =	vadd.f32 $-1.000000000e+00, v4;
	_ =	sdelay $0x1  }
0x51: {  	v3 =	vmul.f32 v4, v3  }
0x52: {  	s20 =	simm.s32 $0x20;
	v5 =	vcvt.s32.f32 v2;
	v4 =	vld [tilespmem:s18+$0x0]  }
0x53: {  	v6 =	vsub.f32 $1.000000000e+00, v3;
	v3 =	vld [tilespmem:s20+$0x2000]  }
0x54: {  	v5 =	vadd.f32 v5, v5;
	_ =	sdelay $0x1  }
0x55: {  	v5 =	vadd.f32 $-1.000000000e+00, v5;
	vm0 =	vgt.f32 v6, $0.0e+00;
	v7 =	vshrl.u32 v6, $0xD  }
0x56: {  	s21 =	simm.s32 $0xC0;
	v8 =	vshll.u32 v8, $0x12;
	v6 =	vmax.f32 v6, $0.0e+00;
	v7 =	vnsel vm0, $0x0, v7  }
.LBB2_5:
0x57: {  	s22 =	sshra.s32 s21, $0x2;
	p0 =	sne.s32 s21, $0x7FC0;
	s21 =	sadd.s32 $0x40, s21;
	v9 =	vcvt.s32.f32 v3;
	v5 =	vmul.f32 v5, v4;
	v4 =	vld [tilespmem:s20+$0x0];
	[tilespmem:s19+$0x6000] =	vst v6;
	v6 =	vadd.s32 v8, v7;
	v10 =	vmovc v3  }
.Ltmp1:
0x58: {  	v3 =	vld [tilespmem:s22+$0x2000];
	[tilespmem:s19+$0x4000] =	vst v6;
	s19 =	smov.u32 s18;
	s18 =	smov.u32 s20;
	(pc) =	sbr.rel @p0 .LBB2_5-.Ltmp1, $3  }
0x59: {  	s20 =	smov.u32 s22;
	v6 =	vadd.f32 v9, v9;
	v7 =	vsub.f32 $1.000000000e+00, v5;
	_ =	sdelay $0x1  }
0x5a: {  	v5 =	vadd.f32 $-1.000000000e+00, v6;
	vm0 =	vgt.f32 v7, $0.0e+00;
	v8 =	vshrl.u32 v7, $0xD  }
0x5b: {  	v6 =	vmax.f32 v7, $0.0e+00;
	v7 =	vnsel vm0, $0x0, v8;
	v8 =	vshll.u32 v2, $0x12;
	v2 =	vmovc v10  }
0x5c: {  	v9 =	vcvt.s32.f32 v3  }
0x5d: {  	v10 =	vld [tilespmem:s20+$0x0]  }
0x5e: {  	v9 =	vadd.f32 v9, v9;
	_ =	sdelay $0x1  }
0x5f: {  	v4 =	vmul.f32 v5, v4;
	v61 =	vadd.f32 $-1.000000000e+00, v9;
	_ =	sdelay $0x1  }
0x60: {  	v4 =	vsub.f32 $1.000000000e+00, v4;
	v5 =	vmul.f32 v61, v10  }
0x61: {  	v7 =	vadd.s32 v8, v7  }
0x62: {  	[tilespmem:s19+$0x6000] =	vst v6;
	vm0 =	vgt.f32 v4, $0.0e+00;
	v62 =	vshrl.u32 v4, $0xD;
	v5 =	vsub.f32 $1.000000000e+00, v5  }
0x63: {  	v2 =	vshll.u32 v2, $0x12;
	[tilespmem:s19+$0x4000] =	vst v7;
	v4 =	vmax.f32 v4, $0.0e+00;
	v6 =	vnsel vm0, $0x0, v62  }
0x64: {  	[tilespmem:s18+$0x6000] =	vst v4;
	v2 =	vadd.s32 v2, v6;
	vm15 =	vgt.f32 v5, $0.0e+00;
	v63 =	vshrl.u32 v5, $0xD  }
0x65: {  	v3 =	vshll.u32 v3, $0x12;
	[tilespmem:s18+$0x4000] =	vst v2;
	v2 =	vmax.f32 v5, $0.0e+00;
	v4 =	vnsel vm15, $0x0, v63  }
0x66: {  	[tilespmem:s20+$0x6000] =	vst v2;
	v2 =	vadd.s32 v3, v4  }
0x67: {  	[tilespmem:s20+$0x4000] =	vst v2  }
0x68: {  	[spmem:s1] =	stream.indirect.scatter.add.f32 [tilespmem:s30], [sflag:$0x1], $0x1, s29, s28, $0xb8;
	[tilespmem:$0x1C000] =	vst v63  }
0x69: {  	s17 =	sadd.s32 $0x1, s17;
	_ =	swait.ge [sflag:s26], $0x2000  }
0x6a: {  	p0 =	sne.s32 s17, $0x10;
	[sflag:s26] =	ssyncset.done $0x0  }
.Ltmp2:
0x6b: {  	[sflag:s26] =	ssyncadd.s32 $0xFFFFE000;
	(pc) =	sbr.rel @p0 .LBB2_4-.Ltmp2, $4  }
0x6c: {  	[spmem:s2] =	stream.indirect.scatter.add.f32 [tilespmem:s31], [sflag:$0x1], $0x1, s29, s28, $0xb8;
	[tilespmem:$0x1C000] =	vst v63  }
0x6d: {  	_ =	swait.ge [sflag:s26], $0x2000  }
0x6e: {  	[sflag:s26] =	ssyncset.done $0x0  }
0x6f: {  	[sflag:s26] =	ssyncadd.s32 $0xFFFFE000  }
0x70: {  	[bflag:$0x0] =	sbarrier.arrive $0xFFFF  }
0x71: {  	[tilespmem:s25], [sflag:$0x1] =	stream.linear.gather [spmem:s8], $0x2000, $0x38;
	[tilespmem:$0x1C000] =	vst v63  }
0x72: {  	_ =	swait.ge [sflag:s26], $0x2000  }
0x73: {  	[sflag:s26] =	ssyncset.done $0x0  }
0x74: {  	s9 =	rddreg [dreg:$0x5];
	[sflag:s26] =	ssyncadd.s32 $0xFFFFE000  }
0x75: {  	[hbm4b:s9+s0] =	stream.strided.scatter [tilespmem:s25], [sflag:$0x1], $0x2000, s5, s0, $0x38;
	[tilespmem:$0x1C000] =	vst v63  }
0x76: {  	_ =	swait.ge [sflag:s26], $0x2000  }
0x77: {  	[sflag:s26] =	ssyncset.done $0x0  }
0x78: {  	[sflag:s26] =	ssyncadd.s32 $0xFFFFE000  }
0x79: {  	[tilespmem:s25], [sflag:$0x1] =	stream.linear.gather [spmem:s10], $0x2000, $0x38;
	[tilespmem:$0x1C000] =	vst v63  }
0x7a: {  	_ =	swait.ge [sflag:s26], $0x2000  }
0x7b: {  	[sflag:s26] =	ssyncset.done $0x0  }
0x7c: {  	s17 =	rddreg [dreg:$0x6];
	[sflag:s26] =	ssyncadd.s32 $0xFFFFE000  }
0x7d: {  	[hbm4b:s17+s0] =	stream.strided.scatter [tilespmem:s25], [sflag:$0x1], $0x2000, s5, s0, $0x38;
	[tilespmem:$0x1C000] =	vst v63  }
0x7e: {  	_ =	swait.ge [sflag:s26], $0x2000  }
0x7f: {  	[sflag:s26] =	ssyncset.done $0x0  }
0x80: {  	[sflag:s26] =	ssyncadd.s32 $0xFFFFE000  }
0x81: {  	[tilespmem:s25], [sflag:$0x1] =	stream.linear.gather [spmem:s11], $0x2000, $0x38;
	[tilespmem:$0x1C000] =	vst v63  }
0x82: {  	_ =	swait.ge [sflag:s26], $0x2000  }
0x83: {  	[sflag:s26] =	ssyncset.done $0x0  }
0x84: {  	s18 =	rddreg [dreg:$0x7];
	[sflag:s26] =	ssyncadd.s32 $0xFFFFE000  }
0x85: {  	[hbm4b:s18+s0] =	stream.strided.scatter [tilespmem:s25], [sflag:$0x1], $0x2000, s5, s0, $0x38;
	[tilespmem:$0x1C000] =	vst v63  }
0x86: {  	_ =	swait.ge [sflag:s26], $0x2000  }
0x87: {  	[sflag:s26] =	ssyncset.done $0x0  }
0x88: {  	[sflag:s26] =	ssyncadd.s32 $0xFFFFE000  }
0x89: {  	[tilespmem:s25], [sflag:$0x1] =	stream.linear.gather [spmem:s12], $0x2000, $0x38;
	[tilespmem:$0x1C000] =	vst v63  }
0x8a: {  	_ =	swait.ge [sflag:s26], $0x2000  }
0x8b: {  	[sflag:s26] =	ssyncset.done $0x0  }
0x8c: {  	s19 =	rddreg [dreg:$0x8];
	[sflag:s26] =	ssyncadd.s32 $0xFFFFE000  }
0x8d: {  	[hbm4b:s19+s0] =	stream.strided.scatter [tilespmem:s25], [sflag:$0x1], $0x2000, s5, s0, $0x38;
	[tilespmem:$0x1C000] =	vst v63  }
0x8e: {  	_ =	swait.ge [sflag:s26], $0x2000  }
0x8f: {  	[sflag:s26] =	ssyncset.done $0x0  }
0x90: {  	[sflag:s26] =	ssyncadd.s32 $0xFFFFE000  }
0x91: {  	[tilespmem:s25], [sflag:$0x1] =	stream.linear.gather [spmem:s13], $0x2000, $0x38;
	[tilespmem:$0x1C000] =	vst v63  }
0x92: {  	_ =	swait.ge [sflag:s26], $0x2000  }
0x93: {  	[sflag:s26] =	ssyncset.done $0x0  }
0x94: {  	s20 =	rddreg [dreg:$0x9];
	[sflag:s26] =	ssyncadd.s32 $0xFFFFE000  }
0x95: {  	[hbm4b:s20+s0] =	stream.strided.scatter [tilespmem:s25], [sflag:$0x1], $0x2000, s5, s0, $0x38;
	[tilespmem:$0x1C000] =	vst v63  }
0x96: {  	_ =	swait.ge [sflag:s26], $0x2000  }
0x97: {  	[sflag:s26] =	ssyncset.done $0x0  }
0x98: {  	[sflag:s26] =	ssyncadd.s32 $0xFFFFE000  }
0x99: {  	[tilespmem:s25], [sflag:$0x1] =	stream.linear.gather [spmem:s14], $0x2000, $0x38;
	[tilespmem:$0x1C000] =	vst v63  }
0x9a: {  	_ =	swait.ge [sflag:s26], $0x2000  }
0x9b: {  	[sflag:s26] =	ssyncset.done $0x0  }
0x9c: {  	s21 =	rddreg [dreg:$0xa];
	[sflag:s26] =	ssyncadd.s32 $0xFFFFE000  }
0x9d: {  	[hbm4b:s21+s0] =	stream.strided.scatter [tilespmem:s25], [sflag:$0x1], $0x2000, s5, s0, $0x38;
	[tilespmem:$0x1C000] =	vst v63  }
0x9e: {  	_ =	swait.ge [sflag:s26], $0x2000  }
0x9f: {  	[sflag:s26] =	ssyncset.done $0x0  }
0xa0: {  	[sflag:s26] =	ssyncadd.s32 $0xFFFFE000  }
0xa1: {  	[tilespmem:s25], [sflag:$0x1] =	stream.linear.gather [spmem:s15], $0x2000, $0x38;
	[tilespmem:$0x1C000] =	vst v63  }
0xa2: {  	_ =	swait.ge [sflag:s26], $0x2000  }
0xa3: {  	[sflag:s26] =	ssyncset.done $0x0  }
0xa4: {  	[sflag:s26] =	ssyncadd.s32 $0xFFFFE000  }
0xa5: {  	[hbm4b:s23+s0] =	stream.strided.scatter [tilespmem:s25], [sflag:$0x1], $0x2000, s5, s0, $0x38;
	[tilespmem:$0x1C000] =	vst v63  }
0xa6: {  	_ =	swait.ge [sflag:s26], $0x2000  }
0xa7: {  	[sflag:s26] =	ssyncset.done $0x0  }
0xa8: {  	[sflag:s26] =	ssyncadd.s32 $0xFFFFE000  }
0xa9: {  	[tilespmem:s25], [sflag:$0x1] =	stream.linear.gather [spmem:s16], $0x2000, $0x38;
	[tilespmem:$0x1C000] =	vst v63  }
0xaa: {  	_ =	swait.ge [sflag:s26], $0x2000  }
0xab: {  	[sflag:s26] =	ssyncset.done $0x0  }
0xac: {  	[sflag:s26] =	ssyncadd.s32 $0xFFFFE000  }
0xad: {  	[hbm4b:s24+s0] =	stream.strided.scatter [tilespmem:s25], [sflag:$0x1], $0x2000, s5, s0, $0x38;
	[tilespmem:$0x1C000] =	vst v63  }
0xae: {  	_ =	swait.ge [sflag:s26], $0x2000  }
0xaf: {  	s3 =	sadd.s32 $0x1, s3;
	s22 =	rddreg [dreg:$0x4]  }
0xb0: {  	p0 =	sne.s32 s3, s22  }
.Ltmp3:
0xb1: {  	_ = 	snop;
	(pc) =	sbr.rel @p0 .LBB2_1-.Ltmp3, $3  }
0xb2: {  	_ =	sdelay $0x1  }
0xb3: {  	[sflag:s26] =	ssyncset.done $0x0  }
0xb4: {  	[sflag:s26] =	ssyncadd.s32 $0xFFFFE000  }
0xb5: {  	_ =	sfence.sel $0x180000  }
0xb6: {  	[bflag:$0x0] =	sbarrier.arrive $0xFFFF  }
0xb7: {  	_ =	strace $0x90000047  }
0xb8: {  	s0 =	stileid.u32;
	[bflag:$0x2] =	sbarrier.arrive $0xFFFF  }
0xb9: {  	p0 =	sne.s32 s0, $0x0;
	s0 =	rddreg [dreg:$0x3]  }
0xba: {  	s0 =	sadd.s32 @!p0 $0x100000, s0  }
0xbb: {  	[sflag:s0] =	ssyncadd.tile.s32 @!p0 $0x1;
	_ =	shalt  }
.Lfunc_end2:
_tile_overlayer_lowered:
.L_overlay_start_2:
0xbc: {  	(tag) =	ssettag $0x2  }
0xbd: {  	s0 =	rddreg [dreg:$0x0];
	s2 =	stileid.u32  }
0xbe: {  	s1 =	rddreg [dreg:$0x1];
	p0 =	sne.s32 s2, $0x0  }
0xbf: {  	s3 =	rddreg [dreg:$0x2];
	[bflag:$0x3] =	sbarrier.arrive $0xFFFF;
	s2 =	simm.s32 @!p0 $0x1C01  }
0xc0: {  	[timem:s3], [sflag:s2] =	dma.local @!p0 [hbm:s0], s1  }
0xc1: {  	s0 =	simm.s32 @!p0 $0x1  }
0xc2: {  	_ =	swait.ge @!p0 [sflag:s0], s1  }
0xc3: {  	s1 =	ssub.s32 @!p0 $0x0, s1;
	[sflag:s0] =	ssyncset.done @!p0 $0x0  }
0xc4: {  	[sflag:s0] =	ssyncadd.s32 @!p0 s1  }
0xc5: {  	[bflag:$0x3] =	sbarrier.arrive $0xFFFF  }
0xc6: {  	_ =	shalt  }

</sc_bundles>
